<compile_context>
chip_gen: v7x
topology: tpu7x:2x2x1
jax: 0.10.2.dev20260603
libtpu: 0.0.44.dev20260713+nightly
codegen_flags: <defaults>
</compile_context>

<pallas_src>
import functools

import jax
import jax.numpy as jnp
from jax import lax
from jax.experimental import pallas as pl
from jax.experimental.pallas import tpu as pltpu
from jax.experimental.pallas import tpu_sc as plsc

CHUNK = 32
NBUF = 4
SKEW = 3


def _make_gather(batch: int, dim: int):
    info = plsc.get_sparse_core_info()
    num_workers = info.num_cores * info.num_subcores
    per_worker = batch // num_workers
    assert batch % num_workers == 0 and per_worker % CHUNK == 0
    n_chunks = per_worker // CHUNK

    mesh = plsc.VectorSubcoreMesh(core_axis_name="c", subcore_axis_name="s")

    @functools.partial(
        pl.kernel,
        mesh=mesh,
        out_type=jax.ShapeDtypeStruct((batch, dim), jnp.float32),
        scratch_types=[
            pltpu.VMEM((per_worker,), jnp.int32),
            pltpu.VMEM((NBUF, CHUNK, dim), jnp.float32),
            pltpu.SemaphoreType.DMA((NBUF,)),
            pltpu.SemaphoreType.DMA((NBUF,)),
        ],
    )
    def gather_kernel(ids_hbm, table_hbm, out_hbm, idx_v, rows_v, gsem, wsem):
        wid = lax.axis_index("s") * info.num_cores + lax.axis_index("c")
        base = wid * per_worker
        pltpu.sync_copy(ids_hbm.at[pl.ds(base, per_worker)], idx_v)

        def wait_gather(b):
            pltpu.make_async_copy(
                table_hbm.at[pl.ds(0, CHUNK)], rows_v.at[b], gsem.at[b]
            ).wait()

        def wait_write(b):
            pltpu.make_async_copy(
                rows_v.at[b], out_hbm.at[pl.ds(0, CHUNK)], wsem.at[b]
            ).wait()

        def step(i, carry):
            @pl.when(i < n_chunks)
            def _issue():
                b = lax.rem(i, NBUF)

                @pl.when(i >= NBUF)
                def _reuse_guard():
                    wait_write(b)

                islice = idx_v.at[pl.ds(i * CHUNK, CHUNK)]
                pltpu.async_copy(table_hbm.at[islice], rows_v.at[b], gsem.at[b])

            @pl.when(i >= SKEW)
            def _drain():
                j = i - SKEW
                b = lax.rem(j, NBUF)
                wait_gather(b)
                pltpu.async_copy(
                    rows_v.at[b], out_hbm.at[pl.ds(base + j * CHUNK, CHUNK)],
                    wsem.at[b],
                )

            return carry

        lax.fori_loop(0, n_chunks + SKEW, step, 0)
        for b in range(NBUF):
            wait_write(b)

    return gather_kernel


def kernel(ids, table):
    flat_ids = ids.reshape(-1).astype(jnp.int32)
    out = _make_gather(flat_ids.shape[0], table.shape[1])(flat_ids, table)
    return out.reshape(ids.shape + (table.shape[1],))

# --- scband reference (transcript-rebuilt; emitter-appended) ---
"""Pipeline reference for scband-bpetokenizer-44882408243767 (READ-ONLY COPY).

The authoritative reference and input builder live on the scoring server;
editing this copy changes nothing except your own understanding.
"""

import jax, jax.numpy as jnp
import numpy as np

VOCAB = 100000
EMBED_DIM = 768

def setup_inputs(seed: int = 0) -> dict:
    key = jax.random.key(seed)
    k_ids, k_tab = jax.random.split(key)
    ids = jax.random.randint(k_ids, (4096, 200), 0, VOCAB, dtype=jnp.int64 if jax.config.jax_enable_x64 else jnp.int32)
    table = jax.random.normal(k_tab, (VOCAB, EMBED_DIM), dtype=jnp.float32) * 0.02
    return {"ids": ids, "table": table}

def reference(ids, table):
    # BPETokenizer.forward: return self.embed(ids)  -> embedding gather
    return jnp.take(table, ids, axis=0)

if __name__ == "__main__":
    import jax
    _d = setup_inputs()
    print(jax.jit(kernel)(*tuple(_d.values())))

</pallas_src>

<mosaic_0001>
#map = affine_map<(d0, d1) -> (0)>
#map1 = affine_map<(d0, d1) -> (0, 0)>
module attributes {stable_mosaic.version = 14 : i64} {
  func.func @gather_kernel(%arg0: i32, %arg1: i32, %arg2: memref<819200xi32, #tpu.memory_space<hbm>>, %arg3: memref<100000x768xf32, #tpu.memory_space<hbm>>, %arg4: memref<819200x768xf32, #tpu.memory_space<hbm>>, %arg5: memref<25600xi32, #tpu.memory_space<vmem>>, %arg6: memref<4x32x768xf32, #tpu.memory_space<vmem>>, %arg7: memref<4x!tpu.dma_semaphore, #tpu.memory_space<semaphore_mem>>, %arg8: memref<4x!tpu.dma_semaphore, #tpu.memory_space<semaphore_mem>>) attributes {dimension_semantics = [#tpu.dimension_semantics<core_parallel>, #tpu.dimension_semantics<subcore_parallel>], iteration_bounds = array<i64: 2, 16>, scalar_prefetch = 0 : i64, scratch_operands = 4 : i64, tpu.core_type = #tpu.core_type<sc_vector_subcore>, window_params = [{transform_indices = #map}, {transform_indices = #map1}, {transform_indices = #map1}]} {
    %mul3A = arith.constant 2 : i32
    %mul3A_0 = arith.muli %arg1, %mul3A : i32
    %add3A = arith.addi %mul3A_0, %arg0 : i32
    %mul3A_1 = arith.constant 25600 : i32
    %mul3A_2 = arith.muli %add3A, %mul3A_1 : i32
    "tpu.region"() ({
      %run_scoped3A = tpu.sem_alloc : memref<!tpu.dma_semaphore, #tpu.memory_space<semaphore_mem>>
      %dma_start3A = tpu.memref_slice %arg2[%mul3A_2] : memref<819200xi32, #tpu.memory_space<hbm>> -> memref<25600xi32, #tpu.memory_space<hbm>>
      %dma_start3A_79 = tpu.memref_slice %arg2[%mul3A_2] : memref<819200xi32, #tpu.memory_space<hbm>> -> memref<25600xi32, #tpu.memory_space<hbm>>
      tpu.enqueue_dma source(%dma_start3A_79 : memref<25600xi32, #tpu.memory_space<hbm>>) target(%arg5 : memref<25600xi32, #tpu.memory_space<vmem>>) target_semaphore(%run_scoped3A : memref<!tpu.dma_semaphore, #tpu.memory_space<semaphore_mem>>)
      %dma_wait3A_80 = tpu.memref_slice %arg2[%mul3A_2] : memref<819200xi32, #tpu.memory_space<hbm>> -> memref<25600xi32, #tpu.memory_space<hbm>>
      %dma_wait3A_81 = tpu.memref_slice %arg2[%mul3A_2] : memref<819200xi32, #tpu.memory_space<hbm>> -> memref<25600xi32, #tpu.memory_space<hbm>>
      tpu.wait_dma2 semaphore(%run_scoped3A : memref<!tpu.dma_semaphore, #tpu.memory_space<semaphore_mem>>) src(%dma_wait3A_81 : memref<25600xi32, #tpu.memory_space<hbm>>) dst(%arg5 : memref<25600xi32, #tpu.memory_space<vmem>>)
      tpu.yield
    }) : () -> ()
    %scan3A = arith.constant 0 : i32
    %scan3A_3 = arith.constant 0 : i32
    %scan3A_4 = arith.constant 803 : i32
    %scan3A_5 = arith.addi %scan3A_3, %scan3A_4 : i32
    %scan3A_6 = arith.constant 1 : i32
    scf.for %scan3A_79 = %scan3A_3 to %scan3A_5 step %scan3A_6  : i32 {
      %lt3A = arith.constant 800 : i32
      %lt3A_80 = arith.cmpi slt, %scan3A_79, %lt3A : i32
      %convert_element_type3A = arith.extui %lt3A_80 : i1 to i32
      %cond3A = arith.constant 0 : i32
      %cond3A_81 = arith.cmpi ne, %convert_element_type3A, %cond3A : i32
      scf.if %cond3A_81 {
        %rem3A = arith.constant 4 : i32
        %rem3A_86 = arith.remsi %scan3A_79, %rem3A : i32
        %ge3A_87 = arith.constant 4 : i32
        %ge3A_88 = arith.cmpi sge, %scan3A_79, %ge3A_87 : i32
        %convert_element_type3A_89 = arith.extui %ge3A_88 : i1 to i32
        %cond3A_90 = arith.constant 0 : i32
        %cond3A_91 = arith.cmpi ne, %convert_element_type3A_89, %cond3A_90 : i32
        scf.if %cond3A_91 {
          %dma_wait3A_103 = arith.constant 0 : i32
          %dma_wait3A_104 = arith.constant 0 : i32
          %dma_wait3A_105 = tpu.memref_slice %arg6[%rem3A_86, %dma_wait3A_103, %dma_wait3A_104] : memref<4x32x768xf32, #tpu.memory_space<vmem>> -> memref<1x32x768xf32, #tpu.memory_space<vmem>>
          %dma_wait3A_106 = tpu.memref_squeeze %dma_wait3A_105 : memref<1x32x768xf32, #tpu.memory_space<vmem>> -> memref<32x768xf32, #tpu.memory_space<vmem>>
          %dma_wait3A_107 = arith.constant 0 : i32
          %dma_wait3A_108 = arith.constant 0 : i32
          %dma_wait3A_109 = tpu.memref_slice %arg4[%dma_wait3A_107, %dma_wait3A_108] : memref<819200x768xf32, #tpu.memory_space<hbm>> -> memref<32x768xf32, #tpu.memory_space<hbm>>
          %dma_wait3A_110 = tpu.memref_slice %arg8[%rem3A_86] : memref<4x!tpu.dma_semaphore, #tpu.memory_space<semaphore_mem>> -> memref<1x!tpu.dma_semaphore, #tpu.memory_space<semaphore_mem>>
          %dma_wait3A_111 = tpu.memref_squeeze %dma_wait3A_110 : memref<1x!tpu.dma_semaphore, #tpu.memory_space<semaphore_mem>> -> memref<!tpu.dma_semaphore, #tpu.memory_space<semaphore_mem>>
          %dma_wait3A_112 = arith.constant 0 : i32
          %dma_wait3A_113 = arith.constant 0 : i32
          %dma_wait3A_114 = tpu.memref_slice %arg4[%dma_wait3A_112, %dma_wait3A_113] : memref<819200x768xf32, #tpu.memory_space<hbm>> -> memref<32x768xf32, #tpu.memory_space<hbm>>
          %dma_wait3A_115 = arith.constant 0 : i32
          %dma_wait3A_116 = arith.constant 0 : i32
          %dma_wait3A_117 = tpu.memref_slice %arg6[%rem3A_86, %dma_wait3A_115, %dma_wait3A_116] : memref<4x32x768xf32, #tpu.memory_space<vmem>> -> memref<1x32x768xf32, #tpu.memory_space<vmem>>
          %dma_wait3A_118 = tpu.memref_squeeze %dma_wait3A_117 : memref<1x32x768xf32, #tpu.memory_space<vmem>> -> memref<32x768xf32, #tpu.memory_space<vmem>>
          tpu.wait_dma2 semaphore(%dma_wait3A_111 : memref<!tpu.dma_semaphore, #tpu.memory_space<semaphore_mem>>) src(%dma_wait3A_118 : memref<32x768xf32, #tpu.memory_space<vmem>>) dst(%dma_wait3A_114 : memref<32x768xf32, #tpu.memory_space<hbm>>)
        } else {
        }
        %mul3A_92 = arith.constant 32 : i32
        %mul3A_93 = arith.muli %scan3A_79, %mul3A_92 : i32
        %dma_start3A = arith.constant 0 : i32
        %dma_start3A_94 = arith.constant 0 : i32
        %dma_start3A_95 = tpu.memref_slice %arg6[%rem3A_86, %dma_start3A, %dma_start3A_94] : memref<4x32x768xf32, #tpu.memory_space<vmem>> -> memref<1x32x768xf32, #tpu.memory_space<vmem>>
        %dma_start3A_96 = tpu.memref_squeeze %dma_start3A_95 : memref<1x32x768xf32, #tpu.memory_space<vmem>> -> memref<32x768xf32, #tpu.memory_space<vmem>>
        %dma_start3A_97 = tpu.memref_slice %arg5[%mul3A_93] : memref<25600xi32, #tpu.memory_space<vmem>> -> memref<32xi32, #tpu.memory_space<vmem>>
        %dma_start3A_98 = arith.constant 0 : i32
        %dma_start3A_99 = arith.constant 0 : i32
        %dma_start3A_100 = tpu.memref_slice %arg3[%dma_start3A_98, %dma_start3A_99] : memref<100000x768xf32, #tpu.memory_space<hbm>> -> memref<100000x768xf32, #tpu.memory_space<hbm>>
        %dma_start3A_101 = tpu.memref_slice %arg7[%rem3A_86] : memref<4x!tpu.dma_semaphore, #tpu.memory_space<semaphore_mem>> -> memref<1x!tpu.dma_semaphore, #tpu.memory_space<semaphore_mem>>
        %dma_start3A_102 = tpu.memref_squeeze %dma_start3A_101 : memref<1x!tpu.dma_semaphore, #tpu.memory_space<semaphore_mem>> -> memref<!tpu.dma_semaphore, #tpu.memory_space<semaphore_mem>>
        tpu.enqueue_indirect_dma source(%dma_start3A_100 : memref<100000x768xf32, #tpu.memory_space<hbm>>) target(%dma_start3A_96 : memref<32x768xf32, #tpu.memory_space<vmem>>) offsets(%dma_start3A_97 : memref<32xi32, #tpu.memory_space<vmem>>) semaphore(%dma_start3A_102 : memref<!tpu.dma_semaphore, #tpu.memory_space<semaphore_mem>>)
      } else {
      }
      %ge3A = arith.constant 3 : i32
      %ge3A_82 = arith.cmpi sge, %scan3A_79, %ge3A : i32
      %convert_element_type3A_83 = arith.extui %ge3A_82 : i1 to i32
      %cond3A_84 = arith.constant 0 : i32
      %cond3A_85 = arith.cmpi ne, %convert_element_type3A_83, %cond3A_84 : i32
      scf.if %cond3A_85 {
        %sub3A = arith.constant 3 : i32
        %sub3A_86 = arith.subi %scan3A_79, %sub3A : i32
        %rem3A = arith.constant 4 : i32
        %rem3A_87 = arith.remsi %sub3A_86, %rem3A : i32
        %dma_wait3A_88 = arith.constant 0 : i32
        %dma_wait3A_89 = arith.constant 0 : i32
        %dma_wait3A_90 = tpu.memref_slice %arg6[%rem3A_87, %dma_wait3A_88, %dma_wait3A_89] : memref<4x32x768xf32, #tpu.memory_space<vmem>> -> memref<1x32x768xf32, #tpu.memory_space<vmem>>
        %dma_wait3A_91 = tpu.memref_squeeze %dma_wait3A_90 : memref<1x32x768xf32, #tpu.memory_space<vmem>> -> memref<32x768xf32, #tpu.memory_space<vmem>>
        %dma_wait3A_92 = arith.constant 0 : i32
        %dma_wait3A_93 = arith.constant 0 : i32
        %dma_wait3A_94 = tpu.memref_slice %arg3[%dma_wait3A_92, %dma_wait3A_93] : memref<100000x768xf32, #tpu.memory_space<hbm>> -> memref<32x768xf32, #tpu.memory_space<hbm>>
        %dma_wait3A_95 = tpu.memref_slice %arg7[%rem3A_87] : memref<4x!tpu.dma_semaphore, #tpu.memory_space<semaphore_mem>> -> memref<1x!tpu.dma_semaphore, #tpu.memory_space<semaphore_mem>>
        %dma_wait3A_96 = tpu.memref_squeeze %dma_wait3A_95 : memref<1x!tpu.dma_semaphore, #tpu.memory_space<semaphore_mem>> -> memref<!tpu.dma_semaphore, #tpu.memory_space<semaphore_mem>>
        %dma_wait3A_97 = arith.constant 0 : i32
        %dma_wait3A_98 = arith.constant 0 : i32
        %dma_wait3A_99 = tpu.memref_slice %arg6[%rem3A_87, %dma_wait3A_97, %dma_wait3A_98] : memref<4x32x768xf32, #tpu.memory_space<vmem>> -> memref<1x32x768xf32, #tpu.memory_space<vmem>>
        %dma_wait3A_100 = tpu.memref_squeeze %dma_wait3A_99 : memref<1x32x768xf32, #tpu.memory_space<vmem>> -> memref<32x768xf32, #tpu.memory_space<vmem>>
        %dma_wait3A_101 = arith.constant 0 : i32
        %dma_wait3A_102 = arith.constant 0 : i32
        %dma_wait3A_103 = tpu.memref_slice %arg3[%dma_wait3A_101, %dma_wait3A_102] : memref<100000x768xf32, #tpu.memory_space<hbm>> -> memref<32x768xf32, #tpu.memory_space<hbm>>
        tpu.wait_dma2 semaphore(%dma_wait3A_96 : memref<!tpu.dma_semaphore, #tpu.memory_space<semaphore_mem>>) src(%dma_wait3A_103 : memref<32x768xf32, #tpu.memory_space<hbm>>) dst(%dma_wait3A_100 : memref<32x768xf32, #tpu.memory_space<vmem>>)
        %mul3A_104 = arith.constant 32 : i32
        %mul3A_105 = arith.muli %sub3A_86, %mul3A_104 : i32
        %add3A_106 = arith.addi %mul3A_2, %mul3A_105 : i32
        %dma_start3A = arith.constant 0 : i32
        %dma_start3A_107 = arith.constant 0 : i32
        %dma_start3A_108 = tpu.memref_slice %arg6[%rem3A_87, %dma_start3A, %dma_start3A_107] : memref<4x32x768xf32, #tpu.memory_space<vmem>> -> memref<1x32x768xf32, #tpu.memory_space<vmem>>
        %dma_start3A_109 = tpu.memref_squeeze %dma_start3A_108 : memref<1x32x768xf32, #tpu.memory_space<vmem>> -> memref<32x768xf32, #tpu.memory_space<vmem>>
        %dma_start3A_110 = arith.constant 0 : i32
        %dma_start3A_111 = tpu.memref_slice %arg4[%add3A_106, %dma_start3A_110] : memref<819200x768xf32, #tpu.memory_space<hbm>> -> memref<32x768xf32, #tpu.memory_space<hbm>>
        %dma_start3A_112 = tpu.memref_slice %arg8[%rem3A_87] : memref<4x!tpu.dma_semaphore, #tpu.memory_space<semaphore_mem>> -> memref<1x!tpu.dma_semaphore, #tpu.memory_space<semaphore_mem>>
        %dma_start3A_113 = tpu.memref_squeeze %dma_start3A_112 : memref<1x!tpu.dma_semaphore, #tpu.memory_space<semaphore_mem>> -> memref<!tpu.dma_semaphore, #tpu.memory_space<semaphore_mem>>
        %dma_start3A_114 = arith.constant 0 : i32
        %dma_start3A_115 = tpu.memref_slice %arg4[%add3A_106, %dma_start3A_114] : memref<819200x768xf32, #tpu.memory_space<hbm>> -> memref<32x768xf32, #tpu.memory_space<hbm>>
        %dma_start3A_116 = arith.constant 0 : i32
        %dma_start3A_117 = arith.constant 0 : i32
        %dma_start3A_118 = tpu.memref_slice %arg6[%rem3A_87, %dma_start3A_116, %dma_start3A_117] : memref<4x32x768xf32, #tpu.memory_space<vmem>> -> memref<1x32x768xf32, #tpu.memory_space<vmem>>
        %dma_start3A_119 = tpu.memref_squeeze %dma_start3A_118 : memref<1x32x768xf32, #tpu.memory_space<vmem>> -> memref<32x768xf32, #tpu.memory_space<vmem>>
        tpu.enqueue_dma source(%dma_start3A_119 : memref<32x768xf32, #tpu.memory_space<vmem>>) target(%dma_start3A_115 : memref<32x768xf32, #tpu.memory_space<hbm>>) target_semaphore(%dma_start3A_113 : memref<!tpu.dma_semaphore, #tpu.memory_space<semaphore_mem>>)
      } else {
      }
    }
    %scan3A_7 = arith.constant 803 : i32
    %dma_wait3A = arith.constant 0 : i32
    %dma_wait3A_8 = arith.constant 0 : i32
    %dma_wait3A_9 = arith.constant 0 : i32
    %dma_wait3A_10 = arith.constant 0 : i32
    %dma_wait3A_11 = tpu.memref_slice %arg6[%dma_wait3A, %dma_wait3A_9, %dma_wait3A_10] : memref<4x32x768xf32, #tpu.memory_space<vmem>> -> memref<1x32x768xf32, #tpu.memory_space<vmem>>
    %dma_wait3A_12 = tpu.memref_squeeze %dma_wait3A_11 : memref<1x32x768xf32, #tpu.memory_space<vmem>> -> memref<32x768xf32, #tpu.memory_space<vmem>>
    %dma_wait3A_13 = arith.constant 0 : i32
    %dma_wait3A_14 = arith.constant 0 : i32
    %dma_wait3A_15 = tpu.memref_slice %arg4[%dma_wait3A_13, %dma_wait3A_14] : memref<819200x768xf32, #tpu.memory_space<hbm>> -> memref<32x768xf32, #tpu.memory_space<hbm>>
    %dma_wait3A_16 = tpu.memref_slice %arg8[%dma_wait3A_8] : memref<4x!tpu.dma_semaphore, #tpu.memory_space<semaphore_mem>> -> memref<1x!tpu.dma_semaphore, #tpu.memory_space<semaphore_mem>>
    %dma_wait3A_17 = tpu.memref_squeeze %dma_wait3A_16 : memref<1x!tpu.dma_semaphore, #tpu.memory_space<semaphore_mem>> -> memref<!tpu.dma_semaphore, #tpu.memory_space<semaphore_mem>>
    %dma_wait3A_18 = arith.constant 0 : i32
    %dma_wait3A_19 = arith.constant 0 : i32
    %dma_wait3A_20 = tpu.memref_slice %arg4[%dma_wait3A_18, %dma_wait3A_19] : memref<819200x768xf32, #tpu.memory_space<hbm>> -> memref<32x768xf32, #tpu.memory_space<hbm>>
    %dma_wait3A_21 = arith.constant 0 : i32
    %dma_wait3A_22 = arith.constant 0 : i32
    %dma_wait3A_23 = tpu.memref_slice %arg6[%dma_wait3A, %dma_wait3A_21, %dma_wait3A_22] : memref<4x32x768xf32, #tpu.memory_space<vmem>> -> memref<1x32x768xf32, #tpu.memory_space<vmem>>
    %dma_wait3A_24 = tpu.memref_squeeze %dma_wait3A_23 : memref<1x32x768xf32, #tpu.memory_space<vmem>> -> memref<32x768xf32, #tpu.memory_space<vmem>>
    tpu.wait_dma2 semaphore(%dma_wait3A_17 : memref<!tpu.dma_semaphore, #tpu.memory_space<semaphore_mem>>) src(%dma_wait3A_24 : memref<32x768xf32, #tpu.memory_space<vmem>>) dst(%dma_wait3A_20 : memref<32x768xf32, #tpu.memory_space<hbm>>)
    %dma_wait3A_25 = arith.constant 1 : i32
    %dma_wait3A_26 = arith.constant 1 : i32
    %dma_wait3A_27 = arith.constant 0 : i32
    %dma_wait3A_28 = arith.constant 0 : i32
    %dma_wait3A_29 = tpu.memref_slice %arg6[%dma_wait3A_25, %dma_wait3A_27, %dma_wait3A_28] : memref<4x32x768xf32, #tpu.memory_space<vmem>> -> memref<1x32x768xf32, #tpu.memory_space<vmem>>
    %dma_wait3A_30 = tpu.memref_squeeze %dma_wait3A_29 : memref<1x32x768xf32, #tpu.memory_space<vmem>> -> memref<32x768xf32, #tpu.memory_space<vmem>>
    %dma_wait3A_31 = arith.constant 0 : i32
    %dma_wait3A_32 = arith.constant 0 : i32
    %dma_wait3A_33 = tpu.memref_slice %arg4[%dma_wait3A_31, %dma_wait3A_32] : memref<819200x768xf32, #tpu.memory_space<hbm>> -> memref<32x768xf32, #tpu.memory_space<hbm>>
    %dma_wait3A_34 = tpu.memref_slice %arg8[%dma_wait3A_26] : memref<4x!tpu.dma_semaphore, #tpu.memory_space<semaphore_mem>> -> memref<1x!tpu.dma_semaphore, #tpu.memory_space<semaphore_mem>>
    %dma_wait3A_35 = tpu.memref_squeeze %dma_wait3A_34 : memref<1x!tpu.dma_semaphore, #tpu.memory_space<semaphore_mem>> -> memref<!tpu.dma_semaphore, #tpu.memory_space<semaphore_mem>>
    %dma_wait3A_36 = arith.constant 0 : i32
    %dma_wait3A_37 = arith.constant 0 : i32
    %dma_wait3A_38 = tpu.memref_slice %arg4[%dma_wait3A_36, %dma_wait3A_37] : memref<819200x768xf32, #tpu.memory_space<hbm>> -> memref<32x768xf32, #tpu.memory_space<hbm>>
    %dma_wait3A_39 = arith.constant 0 : i32
    %dma_wait3A_40 = arith.constant 0 : i32
    %dma_wait3A_41 = tpu.memref_slice %arg6[%dma_wait3A_25, %dma_wait3A_39, %dma_wait3A_40] : memref<4x32x768xf32, #tpu.memory_space<vmem>> -> memref<1x32x768xf32, #tpu.memory_space<vmem>>
    %dma_wait3A_42 = tpu.memref_squeeze %dma_wait3A_41 : memref<1x32x768xf32, #tpu.memory_space<vmem>> -> memref<32x768xf32, #tpu.memory_space<vmem>>
    tpu.wait_dma2 semaphore(%dma_wait3A_35 : memref<!tpu.dma_semaphore, #tpu.memory_space<semaphore_mem>>) src(%dma_wait3A_42 : memref<32x768xf32, #tpu.memory_space<vmem>>) dst(%dma_wait3A_38 : memref<32x768xf32, #tpu.memory_space<hbm>>)
    %dma_wait3A_43 = arith.constant 2 : i32
    %dma_wait3A_44 = arith.constant 2 : i32
    %dma_wait3A_45 = arith.constant 0 : i32
    %dma_wait3A_46 = arith.constant 0 : i32
    %dma_wait3A_47 = tpu.memref_slice %arg6[%dma_wait3A_43, %dma_wait3A_45, %dma_wait3A_46] : memref<4x32x768xf32, #tpu.memory_space<vmem>> -> memref<1x32x768xf32, #tpu.memory_space<vmem>>
    %dma_wait3A_48 = tpu.memref_squeeze %dma_wait3A_47 : memref<1x32x768xf32, #tpu.memory_space<vmem>> -> memref<32x768xf32, #tpu.memory_space<vmem>>
    %dma_wait3A_49 = arith.constant 0 : i32
    %dma_wait3A_50 = arith.constant 0 : i32
    %dma_wait3A_51 = tpu.memref_slice %arg4[%dma_wait3A_49, %dma_wait3A_50] : memref<819200x768xf32, #tpu.memory_space<hbm>> -> memref<32x768xf32, #tpu.memory_space<hbm>>
    %dma_wait3A_52 = tpu.memref_slice %arg8[%dma_wait3A_44] : memref<4x!tpu.dma_semaphore, #tpu.memory_space<semaphore_mem>> -> memref<1x!tpu.dma_semaphore, #tpu.memory_space<semaphore_mem>>
    %dma_wait3A_53 = tpu.memref_squeeze %dma_wait3A_52 : memref<1x!tpu.dma_semaphore, #tpu.memory_space<semaphore_mem>> -> memref<!tpu.dma_semaphore, #tpu.memory_space<semaphore_mem>>
    %dma_wait3A_54 = arith.constant 0 : i32
    %dma_wait3A_55 = arith.constant 0 : i32
    %dma_wait3A_56 = tpu.memref_slice %arg4[%dma_wait3A_54, %dma_wait3A_55] : memref<819200x768xf32, #tpu.memory_space<hbm>> -> memref<32x768xf32, #tpu.memory_space<hbm>>
    %dma_wait3A_57 = arith.constant 0 : i32
    %dma_wait3A_58 = arith.constant 0 : i32
    %dma_wait3A_59 = tpu.memref_slice %arg6[%dma_wait3A_43, %dma_wait3A_57, %dma_wait3A_58] : memref<4x32x768xf32, #tpu.memory_space<vmem>> -> memref<1x32x768xf32, #tpu.memory_space<vmem>>
    %dma_wait3A_60 = tpu.memref_squeeze %dma_wait3A_59 : memref<1x32x768xf32, #tpu.memory_space<vmem>> -> memref<32x768xf32, #tpu.memory_space<vmem>>
    tpu.wait_dma2 semaphore(%dma_wait3A_53 : memref<!tpu.dma_semaphore, #tpu.memory_space<semaphore_mem>>) src(%dma_wait3A_60 : memref<32x768xf32, #tpu.memory_space<vmem>>) dst(%dma_wait3A_56 : memref<32x768xf32, #tpu.memory_space<hbm>>)
    %dma_wait3A_61 = arith.constant 3 : i32
    %dma_wait3A_62 = arith.constant 3 : i32
    %dma_wait3A_63 = arith.constant 0 : i32
    %dma_wait3A_64 = arith.constant 0 : i32
    %dma_wait3A_65 = tpu.memref_slice %arg6[%dma_wait3A_61, %dma_wait3A_63, %dma_wait3A_64] : memref<4x32x768xf32, #tpu.memory_space<vmem>> -> memref<1x32x768xf32, #tpu.memory_space<vmem>>
    %dma_wait3A_66 = tpu.memref_squeeze %dma_wait3A_65 : memref<1x32x768xf32, #tpu.memory_space<vmem>> -> memref<32x768xf32, #tpu.memory_space<vmem>>
    %dma_wait3A_67 = arith.constant 0 : i32
    %dma_wait3A_68 = arith.constant 0 : i32
    %dma_wait3A_69 = tpu.memref_slice %arg4[%dma_wait3A_67, %dma_wait3A_68] : memref<819200x768xf32, #tpu.memory_space<hbm>> -> memref<32x768xf32, #tpu.memory_space<hbm>>
    %dma_wait3A_70 = tpu.memref_slice %arg8[%dma_wait3A_62] : memref<4x!tpu.dma_semaphore, #tpu.memory_space<semaphore_mem>> -> memref<1x!tpu.dma_semaphore, #tpu.memory_space<semaphore_mem>>
    %dma_wait3A_71 = tpu.memref_squeeze %dma_wait3A_70 : memref<1x!tpu.dma_semaphore, #tpu.memory_space<semaphore_mem>> -> memref<!tpu.dma_semaphore, #tpu.memory_space<semaphore_mem>>
    %dma_wait3A_72 = arith.constant 0 : i32
    %dma_wait3A_73 = arith.constant 0 : i32
    %dma_wait3A_74 = tpu.memref_slice %arg4[%dma_wait3A_72, %dma_wait3A_73] : memref<819200x768xf32, #tpu.memory_space<hbm>> -> memref<32x768xf32, #tpu.memory_space<hbm>>
    %dma_wait3A_75 = arith.constant 0 : i32
    %dma_wait3A_76 = arith.constant 0 : i32
    %dma_wait3A_77 = tpu.memref_slice %arg6[%dma_wait3A_61, %dma_wait3A_75, %dma_wait3A_76] : memref<4x32x768xf32, #tpu.memory_space<vmem>> -> memref<1x32x768xf32, #tpu.memory_space<vmem>>
    %dma_wait3A_78 = tpu.memref_squeeze %dma_wait3A_77 : memref<1x32x768xf32, #tpu.memory_space<vmem>> -> memref<32x768xf32, #tpu.memory_space<vmem>>
    tpu.wait_dma2 semaphore(%dma_wait3A_71 : memref<!tpu.dma_semaphore, #tpu.memory_space<semaphore_mem>>) src(%dma_wait3A_78 : memref<32x768xf32, #tpu.memory_space<vmem>>) dst(%dma_wait3A_74 : memref<32x768xf32, #tpu.memory_space<hbm>>)
    return
  }
}

</mosaic_0001>

<sc_bundles>
// kernel: kernel.3.cloned.1.call-start
scs
__scs_entry_jumppad:
0x0: {  	(pc) =	sbr.rel $0x88, $3  }
0x1: {  	(tag) =	ssettag $0x0;
	lr =	simm.s32 $0x1  }
0x2: {  	[smem:$0x3F9F] =	sst lr;
	_ =	strace $0xD0000000  }
0x3: {  	_ = 	snop  }
0x4: {  	_ = 	snop  }
0x5: {  	_ = 	snop  }
0x6: {  	_ = 	snop  }
0x7: {  	_ = 	snop  }
__scs_overlays_trampoline_lowered:
0x8: {  	[smem:$0x3FAE] =	sst s0  }
0x9: {  	[smem:$0x3FAF] =	sst s1  }
0xa: {  	[smem:$0x3FB0] =	sst s2  }
0xb: {  	[smem:$0x3FB1] =	sst s3  }
0xc: {  	[smem:$0x3FB2] =	sst s4  }
0xd: {  	[smem:$0x3FB3] =	sst s5  }
0xe: {  	[smem:$0x3FB4] =	sst s6  }
0xf: {  	[smem:$0x3FB5] =	sst s7  }
0x10: {  	[smem:$0x3FB6] =	sst s8  }
0x11: {  	[smem:$0x3FB7] =	sst s9;
	s0 =	simm.s32 @!p0 $0x0  }
0x12: {  	s1 =	sld [smem:$0x3F9D];
	s0 =	simm.s32 @p0 $0x1  }
0x13: {  	[smem:$0x3FB8] =	sst s0;
	s0 =	simm.s32 @!p1 $0x0  }
0x14: {  	s2 =	sld [smem:$0x3F9C];
	s0 =	simm.s32 @p1 $0x1  }
0x15: {  	[smem:$0x3FB9] =	sst s0;
	s0 =	simm.s32 @!p2 $0x0  }
0x16: {  	s3 =	sld [smem:$0x3FDB];
	s0 =	simm.s32 @p2 $0x1  }
0x17: {  	s4 =	simm.s32 $0x1BF5;
	[smem:$0x3FBB] =	sst s0  }
0x18: {  	s0 =	sld [smem:$0x3F9E];
	_ =	swait.ge [sflag:s4], $0x0  }
0x19: {  	s7 =	sld [smem:$0x3F9F]  }
0x1a: {  	s8 =	sadd.s32 $0xFFFFE003, lr  }
0x1b: {  	s9 =	sadd.s32 $0xFFFFFEF7, lr;
	s5 =	simm.s32 $0xFFFFFFFF;
	p2 =	slt.u32 s8, $0xFFFFF086  }
0x1c: {  	p1 =	slt.u32 s9, $0xF7A;
	s5 =	simm.s32 @!p2 $0x0  }
0x1d: {  	s5 =	simm.s32 @p1 $0x1;
	p0 =	seq.s32 s7, s2  }
0x1e: {  	s7 =	smul.u32 @!p0 $0xF7A, s2;
	p2 =	seq.s32 @!p0 s5, $0x0  }
0x1f: {  	s9 =	smul.u32 $0xF7A, s1;
	s8 =	simm.s32 @!p0 $0x1BF5;
	p2 =	por !p2, p0  }
0x20: {  	[sflag:s8] =	ssyncset.s32 @!p0 $0xFFFFF086;
	s6 =	sadd.s32 @!p0 s3, s7;
	s7 =	simm.s32 @!p0 $0x108  }
0x21: {  	s3 =	sadd.s32 s3, s9;
	s6 =	sadd.s32 @!p0 $0x88, s6;
	s7 =	simm.s32 @p2 $0x1082  }
0x22: {  	[simem:s7], [sflag:s8] =	dma.local @!p0 [hbm:s6], $0xF7A  }
0x23: {  	s9 =	sor.u32 $0xD0000000, s2;
	s6 =	simm.s32 $0x108;
	_ =	swait.ge @!p0 [sflag:s8], $0x0  }
0x24: {  	s3 =	sadd.s32 $0x88, s3;
	s6 =	simm.s32 @!p1 $0x1082;
	[sflag:s4] =	ssyncset.s32 $0xFFFFF086  }
0x25: {  	[simem:s6], [sflag:s4] =	dma.local [hbm:s3], $0xF7A  }
0x26: {  	[smem:$0x3F9F] =	sst s1;
	(tag) =	ssettag s2;
	_ =	strace s9  }
0x27: {  	s1 =	sld [smem:$0x3FAF]  }
0x28: {  	s2 =	sld [smem:$0x3FB0]  }
0x29: {  	s4 =	sld [smem:$0x3FB2]  }
0x2a: {  	p0 =	seq.s32 s5, $0x0;
	s5 =	sld [smem:$0x3FB3]  }
0x2b: {  	s6 =	sld [smem:$0x3FB4]  }
0x2c: {  	s7 =	sld [smem:$0x3FB5]  }
0x2d: {  	s3 =	simm.s32 $0x108;
	s8 =	sld [smem:$0x3FB6]  }
0x2e: {  	s3 =	simm.s32 @!p0 $0x1082;
	s9 =	sld [smem:$0x3FB7]  }
0x2f: {  	lr =	sadd.s32 s0, s3;
	s0 =	sld [smem:$0x3FAE]  }
0x30: {  	s3 =	sld [smem:$0x3FB1]  }
0x31: {  	[smem:$0x3FBA] =	sst s10  }
0x32: {  	s10 =	sld [smem:$0x3FB8];
	_ =	sdelay $0x3  }
0x33: {  	p0 =	seq.s32 s10, $0x1;
	s10 =	sld [smem:$0x3FBA];
	_ =	sdelay $0x3  }
0x34: {  	[smem:$0x3FBA] =	sst s10  }
0x35: {  	s10 =	sld [smem:$0x3FB9];
	_ =	sdelay $0x3  }
0x36: {  	p1 =	seq.s32 s10, $0x1;
	s10 =	sld [smem:$0x3FBA];
	_ =	sdelay $0x3  }
0x37: {  	[smem:$0x3FBA] =	sst s10  }
0x38: {  	s10 =	sld [smem:$0x3FBB]  }
0x39: {  	_ = 	snop;
	(pc) =	sbr.ind lr, $3  }
0x3a: {  	_ = 	snop  }
0x3b: {  	_ = 	snop  }
0x3c: {  	p2 =	seq.s32 s10, $0x1;
	s10 =	sld [smem:$0x3FBA]  }
0x3d: {  	_ =	shalt  }
0x3e: {  	_ =	shalt  }
0x3f: {  	_ =	shalt  }
0x40: {  	_ =	shalt  }
0x41: {  	_ =	shalt  }
0x42: {  	_ =	shalt  }
0x43: {  	_ =	shalt  }
0x44: {  	_ =	shalt  }
0x45: {  	_ =	shalt  }
0x46: {  	_ =	shalt  }
0x47: {  	_ =	shalt  }
0x48: {  	_ =	shalt  }
0x49: {  	_ =	shalt  }
0x4a: {  	_ =	shalt  }
0x4b: {  	_ =	shalt  }
0x4c: {  	_ =	shalt  }
0x4d: {  	_ =	shalt  }
0x4e: {  	_ =	shalt  }
0x4f: {  	_ =	shalt  }
0x50: {  	_ =	shalt  }
0x51: {  	_ =	shalt  }
0x52: {  	_ =	shalt  }
0x53: {  	_ =	shalt  }
0x54: {  	_ =	shalt  }
0x55: {  	_ =	shalt  }
0x56: {  	_ =	shalt  }
0x57: {  	_ =	shalt  }
0x58: {  	_ =	shalt  }
0x59: {  	_ =	shalt  }
0x5a: {  	_ =	shalt  }
0x5b: {  	_ =	shalt  }
0x5c: {  	_ =	shalt  }
0x5d: {  	_ =	shalt  }
0x5e: {  	_ =	shalt  }
0x5f: {  	_ =	shalt  }
0x60: {  	_ =	shalt  }
0x61: {  	_ =	shalt  }
0x62: {  	_ =	shalt  }
0x63: {  	_ =	shalt  }
0x64: {  	_ =	shalt  }
0x65: {  	_ =	shalt  }
0x66: {  	_ =	shalt  }
0x67: {  	_ =	shalt  }
0x68: {  	_ =	shalt  }
0x69: {  	_ =	shalt  }
0x6a: {  	_ =	shalt  }
0x6b: {  	_ =	shalt  }
0x6c: {  	_ =	shalt  }
0x6d: {  	_ =	shalt  }
0x6e: {  	_ =	shalt  }
0x6f: {  	_ =	shalt  }
0x70: {  	_ =	shalt  }
0x71: {  	_ =	shalt  }
0x72: {  	_ =	shalt  }
0x73: {  	_ =	shalt  }
0x74: {  	_ =	shalt  }
0x75: {  	_ =	shalt  }
0x76: {  	_ =	shalt  }
0x77: {  	_ =	shalt  }
0x78: {  	_ =	shalt  }
0x79: {  	_ =	shalt  }
0x7a: {  	_ =	shalt  }
0x7b: {  	_ =	shalt  }
0x7c: {  	_ =	shalt  }
0x7d: {  	_ =	shalt  }
0x7e: {  	_ =	shalt  }
0x7f: {  	_ =	shalt  }
0x80: {  	_ =	shalt  }
0x81: {  	_ =	shalt  }
0x82: {  	_ =	shalt  }
0x83: {  	_ =	shalt  }
0x84: {  	_ =	shalt  }
0x85: {  	_ =	shalt  }
0x86: {  	_ =	shalt  }
0x87: {  	_ =	shalt  }
.Lfunc_end0:
.L_simem_size_0:
called_computation_lowered:
.L_overlay_start_0:
0x88: {  	s2 =	sld [smem:$0x3FD9]  }
0x89: {  	s3 =	sld [smem:$0x3FFE];
	_ =	sdelay $0x1  }
0x8a: {  	s1 =	srdreg.scid  }
0x8b: {  	s0 =	sand.u32 $0x1, s1  }
0x8c: {  	s17 =	sshll.u32 s0, $0xA;
	s2 =	sadd.s32 s3, s2  }
0x8d: {  	s2 =	sadd.s32 s2, s17  }
0x8e: {  	[smem:$0x3FC6] =	sst s2  }
0x8f: {  	_ = 	snop  }
0x90: {  	s2 =	sld [smem:$0x3FC8]  }
0x91: {  	s18 =	sld [smem:$0x3FD0];
	(tm) =	ssettm $0x1  }
0x92: {  	s4 =	sld [smem:$0x3FFB];
	_ =	sdelay $0x3  }
0x93: {  	_ =	strace s4  }
0x94: {  	s4 =	sld [smem:$0x3FFC];
	_ =	sdelay $0x3  }
0x95: {  	_ =	strace s4  }
0x96: {  	s4 =	sld [smem:$0x3FFD];
	_ =	sdelay $0x3  }
0x97: {  	_ =	strace s4  }
0x98: {  	_ =	strace $0x8FFFFFFF  }
0x99: {  	s19 =	sld [smem:$0x3FDB];
	_ =	sdelay $0x1  }
0x9a: {  	s5 =	simm.s32 $_scs_section_size  }
0x9b: {  	s6 =	simm.s32 $_size__tile_overlayer_lowered;
	s7 =	simm.s32 $_tile_overlayer_lowered  }
0x9c: {  	s22 =	simm.s32 $0x1BFF;
	s21 =	sshll.u32 s7, $0x1;
	s4 =	sadd.s32 s5, s19  }
0x9d: {  	s8 =	simm.s32 $0x0;
	s20 =	sshll.u32 s6, $0x1;
	s6 =	sadd.s32 s21, s4  }
0x9e: {  	[timem:s8], [sflag:s22] =	dma.local [hbm:s6], s20  }
0x9f: {  	_ =	swait.ge [sflag:s22], s20  }
0xa0: {  	s5 =	ssub.s32 $0x0, s20;
	[sflag:s22] =	ssyncset.done $0x0  }
0xa1: {  	[sflag:s22] =	ssyncadd.s32 s5;
	_ =	sdelay $0x1  }
0xa2: {  	s23 =	simm.s32 $0x1B8B  }
0xa3: {  	_ =	swait.ge [sflag:s23], $0x1  }
0xa4: {  	[sflag:s23] =	ssyncset.done $0x0  }
0xa5: {  	s25 =	simm.s32 $0x1B8E;
	s24 =	sld [smem:$0x3FFE];
	[sflag:s23] =	ssyncadd.s32 $0xFFFFFFFF  }
0xa6: {  	s26 =	simm.s32 $execute0_lowered;
	[smem:$0x3FD2] =	sst s25  }
0xa7: {  	s6 =	sshll.u32 s26, $0x1;
	_ =	strace $0x80000046;
	[dreg:$0x1] =	wrdreg $0xFFFFFFFF  }
0xa8: {  	s28 =	simm.s32 $_size_execute0_lowered;
	s4 =	sadd.s32 s4, s6;
	[dreg:$0x0] =	wrdreg $0x0  }
0xa9: {  	s6 =	sshll.u32 s28, $0x1;
	[dreg:$0x2] =	wrdreg s4  }
0xaa: {  	[dreg:$0x3] =	wrdreg s6  }
0xab: {  	[dreg:$0x4] =	wrdreg $0xC0  }
0xac: {  	_ =	task [dreg:s8], $0x5FFFF  }
0xad: {  	[dreg:$0x1] =	wrdreg $0xFFFFFFFF  }
0xae: {  	[dreg:$0x0] =	wrdreg $0x60  }
0xaf: {  	[dreg:$0x2] =	wrdreg s24  }
0xb0: {  	[dreg:$0x3] =	wrdreg s2  }
0xb1: {  	[dreg:$0x4] =	wrdreg s18  }
0xb2: {  	[dreg:$0x5] =	wrdreg $0x9  }
0xb3: {  	_ =	task.clear_ibuf [dreg:s8], $0x6FFFF;
	_ =	strace $0x90000046  }
0xb4: {  	s29 =	simm.s32 $0x9;
	_ =	strace $0x80000048  }
0xb5: {  	_ =	swait.ge [sflag:s29], $0x1  }
0xb6: {  	[sflag:s29] =	ssyncadd.s32 $0xFFFFFFFF  }
0xb7: {  	_ =	strace $0x90000048  }
0xb8: {  	_ =	sfence  }
0xb9: {  	s30 =	sld [smem:$0x0];
	_ =	sdelay $0x2  }
0xba: {  	s31 =	sshll.u32 s1, $0xD;
	s1 =	sshrl.u32 s1, $0x2  }
0xbb: {  	s3 =	sand.u32 $0x4000, s31;
	s1 =	sadd.s32 s1, s30  }
0xbc: {  	s0 =	sor.u32 s3, s0;
	s1 =	sshll.u32 s1, $0x11  }
0xbd: {  	s0 =	sor.u32 s1, s0  }
0xbe: {  	s0 =	sadd.s32 $0x8F2B, s0  }
0xbf: {  	[sflag:s0] =	ssyncadd.remote.s32 $0x1  }
0xc0: {  	_ =	sfence.sel $0xFFFF  }
0xc1: {  	[dreg:$0x0] =	wrdreg $0xFFFFFFFF;
	(pc) =	sbr.abs _section_cstart, $3  }
0xc2: {  	[dreg:$0x1] =	wrdreg $0xFFFFFFFF  }
0xc3: {  	_ =	task.clear_ibuf [dreg:s8], $0x2FFFF;
	_ =	strace $0x9FFFFFFF  }
0xc4: {  	(tm) =	ssettm $0x7FFFFFFF  }
0xc5: {  	_ =	shalt  }
tec
execute0_lowered:
.L_overlay_start_1:
0x0: {  	(tag) =	ssettag $0x1  }
0x1: {  	s5 =	rddreg [dreg:$0x0]  }
0x2: {  	s1 =	srdreg.scid;
	s2 =	rddreg [dreg:$0x1]  }
0x3: {  	s0 =	stileid.u32;
	s3 =	rddreg [dreg:$0x2]  }
0x4: {  	s4 =	simm.s32 $0x0;
	s12 =	simm.s32 $0x6;
	s13 =	simm.s32 $0x7  }
0x5: {  	s14 =	simm.s32 $0x8;
	s15 =	simm.s32 $0x0;
	s6 =	sand.u32 $0x1, s1  }
0x6: {  	s31 =	sshll.u32 s0, $0x1;
	s1 =	rddreg [dreg:$0x3];
	s9 =	smul.u32 $0xC800, s0  }
0x7: {  	s7 =	sor.u32 s6, s31;
	s8 =	ssub.s32 $0x2, s6;
	s11 =	smul.u32 $0x6400, s6  }
0x8: {  	[smem:$0x7FF] =	sst s4;
	s7 =	smul.u32 $0x6400, s7;
	s10 =	sshrl.u32 s8, $0x1  }
0x9: {  	_ =	strace $0x80000047;
	s6 =	sadd.s32 $0x100, s2;
	s8 =	ssub.s32 s8, s10  }
0xa: {  	s9 =	sadd.s32 s11, s9;
	s10 =	simm.s32 $0x9;
	s7 =	sshrl.u32 s7, $0x3  }
0xb: {  	s11 =	simm.s32 $0x5;
	s8 =	smax.u32 s8, $0x1;
	s5 =	sadd.s32 s7, s5  }
0xc: {  	s9 =	sadd.s32 $0xFFFFFFA0, s9;
	s7 =	sadd.s32 $0x200, s2;
	s5 =	sadd.s32 $0x400, s5  }
.LBB2_1:
0xd: {  	[tilespmem:s4], [sflag:$0x9] =	stream.linear.gather [hbm4b:s5+s4], $0x6400, $0x38;
	[tilespmem:$0x1E400] =	vst v63  }
0xe: {  	_ =	swait.ge [sflag:s10], $0x6400  }
0xf: {  	s16 =	simm.s32 $0x10;
	[sflag:s10] =	ssyncset.done $0x0  }
0x10: {  	s17 =	smov.u32 s9;
	s18 =	simm.s32 $0x0;
	[sflag:s10] =	ssyncadd.s32 $0xFFFF9C00  }
.LBB2_2:
0x11: {  	p0 =	sgt.u32 s18, $0x31F  }
0x12: {  	p1 =	slt.u32 @!p0 s18, $0x4  }
0x13: {  	s19 =	sand.u32 @!p0 $0x3, s18;
	p1 =	por p1, p0  }
0x14: {  	s20 =	sadd.s32 @!p1 $0x5, s19  }
0x15: {  	_ =	swait.ge @!p1 [sflag:s20], $0x6000  }
0x16: {  	[sflag:s20] =	ssyncset.done @!p1 $0x0  }
0x17: {  	[sflag:s20] =	ssyncadd.s32 @!p1 $0xFFFFA000  }
0x18: {  	v0 =	vld @!p0 [tilespmem:s16+$0xFFFFFFF0];
	_ =	sdelay $0x4  }
0x19: {  	v1 =	vshrl.u32 @!p0 v0, $0x3  }
0x1a: {  	v1 =	vmul.u32 @!p0 $0x30, v1  }
0x1b: {  	v2 =	vlaneseq.u32 @!p0;
	v0 =	vand.u32 @!p0 $0x7, v0  }
0x1c: {  	v3 =	vshrl.u32 @!p0 v2, $0x3;
	v0 =	vor.u32 @!p0 v0, v1;
	v1 =	vand.u32 @!p0 $0x7, v2  }
0x1d: {  	v3 =	vmul.u32 @!p0 $0x8, v3;
	v4 =	vperm.xlane @!p0 v0, v1;
	_ =	sdelay $0x1  }
0x1e: {  	v4 =	vadd.s32 @!p0 v3, v4  }
0x1f: {  	s20 =	smul.u32 @!p0 $0x18000, s19;
	_ =	sdelay $0x1  }
0x20: {  	s20 =	sshrl.u32 @!p0 s20, $0x2;
	v2 =	vor.u32 @!p0 $0x8, v2  }
0x21: {  	vm0 =	vmmov @!p0 $0xffff;
	s22 =	simm.s32 @!p0 $0x0;
	s19 =	sadd.s32 @!p0 $0x1, s19;
	s21 =	sadd.s32 @!p0 $0x6400, s20;
	v0 =	vperm.xlane @!p0 v0, v2  }
0x22: {  	[tilespmem:s21], [sflag:s19] =	stream.indirect_vreg.gather @!p0 [hbm4b:s2+s22], $0x80, v4, vm0, $0xb8;
	[tilespmem:$0x1E400] =	vst v63  }
0x23: {  	v0 =	vadd.s32 @!p0 v3, v0;
	s21 =	sadd.s32 @!p0 $0x6C00, s20  }
0x24: {  	[tilespmem:s21], [sflag:s19] =	stream.indirect_vreg.gather @!p0 [hbm4b:s6+s22], $0x80, v4, vm0, $0xb8;
	[tilespmem:$0x1E400] =	vst v63  }
0x25: {  	s21 =	sadd.s32 @!p0 $0x7400, s20  }
0x26: {  	[tilespmem:s21], [sflag:s19] =	stream.indirect_vreg.gather @!p0 [hbm4b:s7+s22], $0x80, v4, vm0, $0xb8;
	[tilespmem:$0x1E400] =	vst v63  }
0x27: {  	s21 =	sadd.s32 @!p0 $0x7C00, s20  }
0x28: {  	[tilespmem:s21], [sflag:s19] =	stream.indirect_vreg.gather @!p0 [hbm4b:s2+s22], $0x80, v0, vm0, $0xb8;
	[tilespmem:$0x1E400] =	vst v63  }
0x29: {  	s21 =	sadd.s32 @!p0 $0x8400, s20  }
0x2a: {  	[tilespmem:s21], [sflag:s19] =	stream.indirect_vreg.gather @!p0 [hbm4b:s6+s22], $0x80, v0, vm0, $0xb8;
	[tilespmem:$0x1E400] =	vst v63  }
0x2b: {  	s21 =	sadd.s32 @!p0 $0x8C00, s20  }
0x2c: {  	[tilespmem:s21], [sflag:s19] =	stream.indirect_vreg.gather @!p0 [hbm4b:s7+s22], $0x80, v0, vm0, $0xb8;
	[tilespmem:$0x1E400] =	vst v63  }
0x2d: {  	v0 =	vld @!p0 [tilespmem:s16+$0x0];
	_ =	sdelay $0x4  }
0x2e: {  	v4 =	vshrl.u32 @!p0 v0, $0x3  }
0x2f: {  	v4 =	vmul.u32 @!p0 $0x30, v4  }
0x30: {  	v0 =	vand.u32 @!p0 $0x7, v0  }
0x31: {  	v0 =	vor.u32 @!p0 v0, v4  }
0x32: {  	v1 =	vperm.xlane @!p0 v0, v1;
	_ =	sdelay $0x1  }
0x33: {  	v1 =	vadd.s32 @!p0 v3, v1;
	_ =	sdelay $0x3  }
0x34: {  	s21 =	sadd.s32 @!p0 $0x9400, s20;
	v0 =	vperm.xlane @!p0 v0, v2  }
0x35: {  	[tilespmem:s21], [sflag:s19] =	stream.indirect_vreg.gather @!p0 [hbm4b:s2+s22], $0x80, v1, vm0, $0xb8;
	[tilespmem:$0x1E400] =	vst v63  }
0x36: {  	v0 =	vadd.s32 @!p0 v3, v0;
	s21 =	sadd.s32 @!p0 $0x9C00, s20  }
0x37: {  	[tilespmem:s21], [sflag:s19] =	stream.indirect_vreg.gather @!p0 [hbm4b:s6+s22], $0x80, v1, vm0, $0xb8;
	[tilespmem:$0x1E400] =	vst v63  }
0x38: {  	s21 =	sadd.s32 @!p0 $0xA400, s20  }
0x39: {  	[tilespmem:s21], [sflag:s19] =	stream.indirect_vreg.gather @!p0 [hbm4b:s7+s22], $0x80, v1, vm0, $0xb8;
	[tilespmem:$0x1E400] =	vst v63  }
0x3a: {  	s21 =	sadd.s32 @!p0 $0xAC00, s20  }
0x3b: {  	[tilespmem:s21], [sflag:s19] =	stream.indirect_vreg.gather @!p0 [hbm4b:s2+s22], $0x80, v0, vm0, $0xb8;
	[tilespmem:$0x1E400] =	vst v63  }
0x3c: {  	s21 =	sadd.s32 @!p0 $0xB400, s20  }
0x3d: {  	[tilespmem:s21], [sflag:s19] =	stream.indirect_vreg.gather @!p0 [hbm4b:s6+s22], $0x80, v0, vm0, $0xb8;
	[tilespmem:$0x1E400] =	vst v63  }
0x3e: {  	p1 =	slt.u32 @!p0 s18, $0x3;
	s20 =	sadd.s32 @!p0 $0xBC00, s20  }
0x3f: {  	[tilespmem:s20], [sflag:s19] =	stream.indirect_vreg.gather @!p0 [hbm4b:s7+s22], $0x80, v0, vm0, $0xb8;
	[tilespmem:$0x1E400] =	vst v63  }
0x40: {  	p0 =	por p0, !p1  }
0x41: {  	s19 =	sadd.s32 @p0 $0xFFFFFFFD, s18  }
0x42: {  	s19 =	sand.u32 @p0 $0x3, s19  }
0x43: {  	s20 =	sadd.s32 @p0 $0x1, s19  }
0x44: {  	s21 =	sshrl.u32 @p0 s17, $0x3;
	s22 =	smul.u32 @p0 $0x18000, s19;
	_ =	swait.ge @p0 [sflag:s20], $0x6000  }
0x45: {  	s21 =	smul.u32 @p0 $0x300, s21;
	[sflag:s20] =	ssyncset.done @p0 $0x0  }
0x46: {  	s18 =	sadd.s32 $0x1, s18;
	[sflag:s20] =	ssyncadd.s32 @p0 $0xFFFFA000;
	s20 =	sshrl.u32 @p0 s22, $0x2  }
0x47: {  	s19 =	sadd.s32 @p0 $0x5, s19;
	s21 =	sadd.s32 @p0 s3, s21;
	s20 =	sadd.s32 @p0 $0x6400, s20  }
0x48: {  	[hbm4b:s21+s4] =	stream.linear.scatter @p0 [tilespmem:s20], [sflag:s19], $0x6000, $0x38;
	[tilespmem:$0x1E400] =	vst v63  }
0x49: {  	p0 =	sne.s32 s18, $0x323  }
.Ltmp0:
0x4a: {  	_ = 	snop;
	(pc) =	sbr.rel @p0 .LBB2_2-.Ltmp0, $2  }
0x4b: {  	_ =	sdelay $0x2  }
0x4c: {  	s16 =	sadd.s32 $0x20, s16;
	s17 =	sadd.s32 $0x20, s17  }
0x4d: {  	_ =	swait.ge [sflag:s11], $0x6000  }
0x4e: {  	[sflag:s11] =	ssyncset.done $0x0  }
0x4f: {  	[sflag:s11] =	ssyncadd.s32 $0xFFFFA000  }
0x50: {  	_ =	swait.ge [sflag:s12], $0x6000  }
0x51: {  	[sflag:s12] =	ssyncset.done $0x0  }
0x52: {  	s15 =	sadd.s32 $0x1, s15;
	[sflag:s12] =	ssyncadd.s32 $0xFFFFA000  }
0x53: {  	p0 =	sne.s32 s15, s8;
	_ =	swait.ge [sflag:s13], $0x6000  }
.Ltmp1:
0x54: {  	[sflag:s13] =	ssyncset.done $0x0;
	(pc) =	sbr.rel @p0 .LBB2_1-.Ltmp1, $4  }
0x55: {  	[sflag:s13] =	ssyncadd.s32 $0xFFFFA000  }
0x56: {  	_ =	swait.ge [sflag:s14], $0x6000  }
0x57: {  	[sflag:s14] =	ssyncset.done $0x0  }
0x58: {  	[sflag:s14] =	ssyncadd.s32 $0xFFFFA000  }
0x59: {  	_ =	sfence.sel $0x180000  }
0x5a: {  	[bflag:$0x0] =	sbarrier.arrive $0xFFFF  }
0x5b: {  	p0 =	sne.s32 s0, $0x0;
	_ =	strace $0x90000047  }
0x5c: {  	s0 =	sadd.s32 @!p0 $0x100000, s1;
	[bflag:$0x2] =	sbarrier.arrive $0xFFFF  }
0x5d: {  	[sflag:s0] =	ssyncadd.tile.s32 @!p0 $0x1;
	_ =	shalt  }
.Lfunc_end2:
_tile_overlayer_lowered:
.L_overlay_start_2:
0x5e: {  	(tag) =	ssettag $0x2  }
0x5f: {  	s0 =	rddreg [dreg:$0x0];
	s2 =	stileid.u32  }
0x60: {  	s1 =	rddreg [dreg:$0x1];
	p0 =	sne.s32 s2, $0x0  }
0x61: {  	s3 =	rddreg [dreg:$0x2];
	[bflag:$0x3] =	sbarrier.arrive $0xFFFF;
	s2 =	simm.s32 @!p0 $0x1C09  }
0x62: {  	[timem:s3], [sflag:s2] =	dma.local @!p0 [hbm:s0], s1  }
0x63: {  	s0 =	simm.s32 @!p0 $0x9  }
0x64: {  	_ =	swait.ge @!p0 [sflag:s0], s1  }
0x65: {  	s1 =	ssub.s32 @!p0 $0x0, s1;
	[sflag:s0] =	ssyncset.done @!p0 $0x0  }
0x66: {  	[sflag:s0] =	ssyncadd.s32 @!p0 s1  }
0x67: {  	[bflag:$0x3] =	sbarrier.arrive $0xFFFF  }
0x68: {  	_ =	shalt  }

</sc_bundles>
